<compile_context>
chip_gen: v7x
topology: tpu7x:2x2x1
jax: 0.10.2.dev20260603
libtpu: 0.0.44.dev20260713+nightly
codegen_flags: <defaults>
</compile_context>

<pallas_src>
import functools

import jax
import jax.numpy as jnp
from jax.experimental import pallas as pl
from jax.experimental.pallas import tpu as pltpu
from jax.experimental.pallas import tpu_sc as plsc

B = 8
T = 512
U = 31
U1 = U + 1
V = 512
TBF = 128
NBLK = (B * T) // TBF
D = T + U1 - 1
DP = D + 1
NEG = -1.0e9

NC = 2
NS = 16
NW = NC * NS
NG = T * B * U
GPW = NG // NW
LSEL = 16


def _sc_gather_kernel(table_ref, idx_ref, out_ref, idx_v, out_v, sem):
    wid = jax.lax.axis_index("s") * NC + jax.lax.axis_index("c")
    base = wid * GPW
    pltpu.sync_copy(idx_ref.at[pl.ds(base, GPW)], idx_v)
    pltpu.async_copy(table_ref.at[idx_v], out_v, sem).wait()
    pltpu.sync_copy(out_v, out_ref.at[pl.ds(base, GPW)])


def _sc_gather(table, idx16):
    fn = functools.partial(
        pl.kernel,
        out_type=jax.ShapeDtypeStruct((NG,), jnp.float32),
        mesh=plsc.VectorSubcoreMesh(core_axis_name="c", subcore_axis_name="s"),
        scratch_types=[
            pltpu.VMEM((GPW,), jnp.int32),
            pltpu.VMEM((GPW,), jnp.float32),
            pltpu.SemaphoreType.DMA,
        ],
    )(_sc_gather_kernel)
    return fn(table, idx16)


def _stream_kernel(x_ref, blank_ref, lse_ref):
    x = x_ref[...].reshape(TBF, U1, V)
    m = jnp.max(x, axis=2, keepdims=True)
    s = jnp.sum(jnp.exp(x - m), axis=2, keepdims=True)
    lse = (m + jnp.log(s))[:, :, 0]
    blank_ref[...] = (x[:, :, 0] - lse).reshape(1, TBF, U1)
    lse_ref[...] = lse.reshape(1, TBF, U1)


def _roll0(x, k):
    return jnp.concatenate([x[x.shape[0] - k:], x[: x.shape[0] - k]], axis=0)


def _lattice_kernel(blank_ref, lse_ref, y_ref, out_ref, bsh, ysh):
    yl = y_ref[...] - lse_ref[...][:, :, :U]
    yv = jnp.concatenate([yl, jnp.full((T, B, 1), NEG, jnp.float32)], axis=2)
    pad = jnp.full((DP - T, B, U1), NEG, jnp.float32)
    bp = jnp.concatenate([blank_ref[...], pad], axis=0)
    yp = jnp.concatenate([yv, pad], axis=0)
    iota_u = jax.lax.broadcasted_iota(jnp.int32, (DP, B, U1), 2)
    for k in (1, 2, 4, 8, 16):
        mask = (iota_u & k) != 0
        bp = jnp.where(mask, _roll0(bp, k), bp)
        yp = jnp.where(mask, _roll0(yp, k), yp)
    bsh[...] = bp
    ysh[...] = yp

    iu3 = jax.lax.broadcasted_iota(jnp.int32, (1, B, U1), 2)
    a0 = jnp.where(iu3 == 0, 0.0, NEG)

    def body(d, a):
        bcol = bsh[pl.ds(d - 1, 1)]
        ycol = ysh[pl.ds(d - 1, 1)]
        c = a + ycol
        cs = jnp.concatenate(
            [jnp.full((1, B, 1), NEG, jnp.float32), c[:, :, :U]], axis=2)
        t1 = a + bcol
        mx = jnp.maximum(t1, cs)
        return mx + jnp.log1p(jnp.exp(-jnp.abs(t1 - cs)))

    a = jax.lax.fori_loop(1, D, body, a0)
    loglik = a[:, :, U1 - 1] + bsh[pl.ds(D - 1, 1)][:, :, U1 - 1]
    out_ref[...] = -jnp.sum(loglik, axis=1, keepdims=True) / B


def kernel(logits, targets, logit_lengths, target_lengths):
    tt = jnp.arange(T, dtype=jnp.int32)[:, None, None]
    bb = jnp.arange(B, dtype=jnp.int32)[None, :, None]
    uu = jnp.arange(U, dtype=jnp.int32)[None, None, :]
    tg = targets.astype(jnp.int32)[None, :, :]
    p = ((bb * T + tt) * U1 + uu) * V + tg
    idx = p.reshape(NG)
    table = logits.reshape(-1)

    y_raw = _sc_gather(table, idx).reshape(T, B, U)

    nb_per_b = T // TBF
    blank_s, lse_s = pl.pallas_call(
        _stream_kernel,
        grid=(NBLK,),
        in_specs=[pl.BlockSpec((TBF * U1, V), lambda i: (i, 0))],
        out_specs=[
            pl.BlockSpec((1, TBF, U1), lambda i: (i // nb_per_b, i % nb_per_b, 0)),
            pl.BlockSpec((1, TBF, U1), lambda i: (i // nb_per_b, i % nb_per_b, 0)),
        ],
        out_shape=[
            jax.ShapeDtypeStruct((B, T, U1), jnp.float32),
            jax.ShapeDtypeStruct((B, T, U1), jnp.float32),
        ],
    )(logits)

    out = pl.pallas_call(
        _lattice_kernel,
        out_shape=jax.ShapeDtypeStruct((1, 1), jnp.float32),
        scratch_shapes=[
            pltpu.VMEM((DP, B, U1), jnp.float32),
            pltpu.VMEM((DP, B, U1), jnp.float32),
        ],
    )(jnp.swapaxes(blank_s, 0, 1), jnp.swapaxes(lse_s, 0, 1), y_raw)
    return out[0, 0]

# --- scband reference (transcript-rebuilt; emitter-appended) ---
"""Pipeline reference for scband-transducer-loss-64269890617745 (READ-ONLY COPY).

The authoritative reference and input builder live on the scoring server;
editing this copy changes nothing except your own understanding.
"""

import jax, jax.numpy as jnp
import numpy as np

B = 8       # batch size
T = 512     # encoder frames per utterance (equal-length batch)
U = 31      # target tokens per utterance (excluding blank)
V = 512     # vocab size
BLANK = 0


def setup_inputs(seed: int = 0) -> dict:
    key = jax.random.key(seed)
    k1, k2 = jax.random.split(key)
    U1 = U + 1
    # Concatenated joint-network output: sum_all_TU = B * T * (U+1) rows.
    logits = jax.random.normal(k1, (B * T * U1, V), dtype=jnp.float32)
    targets = jax.random.randint(k2, (B, U), 0, V, dtype=jnp.int32)
    logit_lengths = jnp.full((B,), T, dtype=jnp.int32)
    target_lengths = jnp.full((B,), U, dtype=jnp.int32)
    return {
        "logits": logits,
        "targets": targets,
        "logit_lengths": logit_lengths,
        "target_lengths": target_lengths,
    }


def _transducer_loss(logits, targets):
    # Equal-length batch: reshape the ragged concatenation to a dense lattice.
    U1 = U + 1
    lp = jax.nn.log_softmax(logits.reshape(B, T, U1, V), axis=-1)
    blank_lp = lp[..., BLANK]                      # [B, T, U+1]
    idx = jnp.broadcast_to(targets[:, None, :, None].astype(jnp.int32), (B, T, U, 1))
    y_lp = jnp.take_along_axis(lp[:, :, :U, :], idx, axis=-1)[..., 0]  # [B, T, U]

    # alpha[0, u] = sum_{i<u} y_lp[b, 0, i]
    alpha0 = jnp.concatenate(
        [jnp.zeros((B, 1), dtype=lp.dtype), jnp.cumsum(y_lp[:, 0, :], axis=-1)], axis=1
    )  # [B, U+1]

    def step_t(alpha_prev, xs):
        b_prev, y_t = xs  # [B, U+1] blank_lp at t-1, [B, U] y_lp at t
        top = alpha_prev + b_prev  # emit blank from frame t-1

        def step_u(a_left, uu):
            top_u, y_u = uu  # [B], [B]
            a = jnp.logaddexp(top_u, a_left + y_u)
            return a, a

        a0 = top[:, 0]
        _, rest = jax.lax.scan(step_u, a0, (top[:, 1:].T, y_t.T))  # rest: [U, B]
        alpha_t = jnp.concatenate([a0[:, None], rest.T], axis=1)
        return alpha_t, None

    xs = (jnp.swapaxes(blank_lp[:, : T - 1, :], 0, 1), jnp.swapaxes(y_lp[:, 1:, :], 0, 1))
    alpha_last, _ = jax.lax.scan(step_t, alpha0, xs)
    loglik = alpha_last[:, U] + blank_lp[:, T - 1, U]
    loss = -loglik
    return loss.mean()  # reduction='mean'


def reference(logits, targets, logit_lengths, target_lengths):
    # logit_lengths/target_lengths are constant (all T / all U) in this
    # equal-length configuration; the lattice shape is derived statically.
    return _transducer_loss(logits, targets)

if __name__ == "__main__":
    import jax
    _d = setup_inputs()
    print(jax.jit(kernel)(*tuple(_d.values())))

</pallas_src>

<mosaic_0001>
#map = affine_map<(d0, d1) -> (0)>
module attributes {stable_mosaic.version = 14 : i64} {
  func.func @_sc_gather_kernel(%arg0: i32, %arg1: i32, %arg2: memref<67108864xf32, #tpu.memory_space<hbm>>, %arg3: memref<126976xi32, #tpu.memory_space<hbm>>, %arg4: memref<126976xf32, #tpu.memory_space<hbm>>, %arg5: memref<3968xi32, #tpu.memory_space<vmem>>, %arg6: memref<3968xf32, #tpu.memory_space<vmem>>, %arg7: memref<!tpu.dma_semaphore, #tpu.memory_space<semaphore_mem>>) attributes {dimension_semantics = [#tpu.dimension_semantics<core_parallel>, #tpu.dimension_semantics<subcore_parallel>], iteration_bounds = array<i64: 2, 16>, scalar_prefetch = 0 : i64, scratch_operands = 3 : i64, tpu.core_type = #tpu.core_type<sc_vector_subcore>, window_params = [{transform_indices = #map}, {transform_indices = #map}, {transform_indices = #map}]} {
    %mul3A = arith.constant 2 : i32
    %mul3A_0 = arith.muli %arg1, %mul3A : i32
    %add3A = arith.addi %mul3A_0, %arg0 : i32
    %mul3A_1 = arith.constant 3968 : i32
    %mul3A_2 = arith.muli %add3A, %mul3A_1 : i32
    "tpu.region"() ({
      %run_scoped3A = tpu.sem_alloc : memref<!tpu.dma_semaphore, #tpu.memory_space<semaphore_mem>>
      %dma_start3A_5 = tpu.memref_slice %arg3[%mul3A_2] : memref<126976xi32, #tpu.memory_space<hbm>> -> memref<3968xi32, #tpu.memory_space<hbm>>
      %dma_start3A_6 = tpu.memref_slice %arg3[%mul3A_2] : memref<126976xi32, #tpu.memory_space<hbm>> -> memref<3968xi32, #tpu.memory_space<hbm>>
      tpu.enqueue_dma source(%dma_start3A_6 : memref<3968xi32, #tpu.memory_space<hbm>>) target(%arg5 : memref<3968xi32, #tpu.memory_space<vmem>>) target_semaphore(%run_scoped3A : memref<!tpu.dma_semaphore, #tpu.memory_space<semaphore_mem>>)
      %dma_wait3A_7 = tpu.memref_slice %arg3[%mul3A_2] : memref<126976xi32, #tpu.memory_space<hbm>> -> memref<3968xi32, #tpu.memory_space<hbm>>
      %dma_wait3A_8 = tpu.memref_slice %arg3[%mul3A_2] : memref<126976xi32, #tpu.memory_space<hbm>> -> memref<3968xi32, #tpu.memory_space<hbm>>
      tpu.wait_dma2 semaphore(%run_scoped3A : memref<!tpu.dma_semaphore, #tpu.memory_space<semaphore_mem>>) src(%dma_wait3A_8 : memref<3968xi32, #tpu.memory_space<hbm>>) dst(%arg5 : memref<3968xi32, #tpu.memory_space<vmem>>)
      tpu.yield
    }) : () -> ()
    %dma_start3A = arith.constant 0 : i32
    %dma_start3A_3 = tpu.memref_slice %arg2[%dma_start3A] : memref<67108864xf32, #tpu.memory_space<hbm>> -> memref<67108864xf32, #tpu.memory_space<hbm>>
    tpu.enqueue_indirect_dma source(%dma_start3A_3 : memref<67108864xf32, #tpu.memory_space<hbm>>) target(%arg6 : memref<3968xf32, #tpu.memory_space<vmem>>) offsets(%arg5 : memref<3968xi32, #tpu.memory_space<vmem>>) semaphore(%arg7 : memref<!tpu.dma_semaphore, #tpu.memory_space<semaphore_mem>>)
    %dma_wait3A = arith.constant 0 : i32
    %dma_wait3A_4 = tpu.memref_slice %arg2[%dma_wait3A] : memref<67108864xf32, #tpu.memory_space<hbm>> -> memref<67108864xf32, #tpu.memory_space<hbm>>
    tpu.wait_indirect_dma semaphore(%arg7 : memref<!tpu.dma_semaphore, #tpu.memory_space<semaphore_mem>>) src(%dma_wait3A_4 : memref<67108864xf32, #tpu.memory_space<hbm>>) dst(%arg6 : memref<3968xf32, #tpu.memory_space<vmem>>)
    "tpu.region"() ({
      %run_scoped3A = tpu.sem_alloc : memref<!tpu.dma_semaphore, #tpu.memory_space<semaphore_mem>>
      %dma_start3A_5 = tpu.memref_slice %arg4[%mul3A_2] : memref<126976xf32, #tpu.memory_space<hbm>> -> memref<3968xf32, #tpu.memory_space<hbm>>
      %dma_start3A_6 = tpu.memref_slice %arg4[%mul3A_2] : memref<126976xf32, #tpu.memory_space<hbm>> -> memref<3968xf32, #tpu.memory_space<hbm>>
      tpu.enqueue_dma source(%arg6 : memref<3968xf32, #tpu.memory_space<vmem>>) target(%dma_start3A_6 : memref<3968xf32, #tpu.memory_space<hbm>>) target_semaphore(%run_scoped3A : memref<!tpu.dma_semaphore, #tpu.memory_space<semaphore_mem>>)
      %dma_wait3A_7 = tpu.memref_slice %arg4[%mul3A_2] : memref<126976xf32, #tpu.memory_space<hbm>> -> memref<3968xf32, #tpu.memory_space<hbm>>
      %dma_wait3A_8 = tpu.memref_slice %arg4[%mul3A_2] : memref<126976xf32, #tpu.memory_space<hbm>> -> memref<3968xf32, #tpu.memory_space<hbm>>
      tpu.wait_dma2 semaphore(%run_scoped3A : memref<!tpu.dma_semaphore, #tpu.memory_space<semaphore_mem>>) src(%arg6 : memref<3968xf32, #tpu.memory_space<vmem>>) dst(%dma_wait3A_8 : memref<3968xf32, #tpu.memory_space<hbm>>)
      tpu.yield
    }) : () -> ()
    return
  }
}

module attributes {stable_mosaic.version = 14 : i64} {
  func.func @_stream_kernel(%arg0: i32, %arg1: memref<4096x512xf32, #tpu.memory_space<vmem>>, %arg2: memref<1x128x32xf32, #tpu.memory_space<vmem>>, %arg3: memref<1x128x32xf32, #tpu.memory_space<vmem>>) attributes {dimension_semantics = [#tpu.dimension_semantics<arbitrary>], iteration_bounds = array<i64: 32>, scalar_prefetch = 0 : i64, scratch_operands = 0 : i64, tpu.core_type = #tpu.core_type<tc>, window_params = [{transform_indices = @transform_0, window_bounds = array<i64: 4096, 512>}, {transform_indices = @transform_1, window_bounds = array<i64: 1, 128, 32>}, {transform_indices = @transform_2, window_bounds = array<i64: 1, 128, 32>}]} {
    %get3A = arith.constant 0 : index
    %get3A_0 = arith.constant 0 : index
    %get3A_1 = vector.load %arg1[%get3A, %get3A_0] : memref<4096x512xf32, #tpu.memory_space<vmem>>, vector<4096x512xf32>
    %reshape3A = vector.shape_cast %get3A_1 : vector<4096x512xf32> to vector<128x32x512xf32>
    %reduce_max3A = arith.constant dense<0xFF800000> : vector<128x32xf32>
    %reduce_max3A_2 = vector.multi_reduction <maximumf>, %reshape3A, %reduce_max3A [2] : vector<128x32x512xf32> to vector<128x32xf32>
    %broadcast_in_dim3A = vector.shape_cast %reduce_max3A_2 : vector<128x32xf32> to vector<128x32x1xf32>
    %sub3A = vector.broadcast %broadcast_in_dim3A : vector<128x32x1xf32> to vector<128x32x512xf32>
    %sub3A_3 = arith.subf %reshape3A, %sub3A : vector<128x32x512xf32>
    %exp3A = math.exp %sub3A_3 : vector<128x32x512xf32>
    %reduce_sum3A = arith.constant dense<0.000000e+00> : vector<128x32xf32>
    %reduce_sum3A_4 = vector.multi_reduction <add>, %exp3A, %reduce_sum3A [2] : vector<128x32x512xf32> to vector<128x32xf32>
    %broadcast_in_dim3A_5 = vector.shape_cast %reduce_sum3A_4 : vector<128x32xf32> to vector<128x32x1xf32>
    %log3A = math.log %broadcast_in_dim3A_5 : vector<128x32x1xf32>
    %add3A = arith.addf %broadcast_in_dim3A, %log3A : vector<128x32x1xf32>
    %squeeze3A = vector.shape_cast %add3A : vector<128x32x1xf32> to vector<128x32xf32>
    %slice3A = vector.extract_strided_slice %reshape3A {offsets = [0, 0, 0], sizes = [128, 32, 1], strides = [1, 1, 1]} : vector<128x32x512xf32> to vector<128x32x1xf32>
    %squeeze3A_6 = vector.shape_cast %slice3A : vector<128x32x1xf32> to vector<128x32xf32>
    %sub3A_7 = arith.subf %squeeze3A_6, %squeeze3A : vector<128x32xf32>
    %reshape3A_8 = vector.shape_cast %sub3A_7 : vector<128x32xf32> to vector<1x128x32xf32>
    %swap3A = arith.constant 0 : index
    %swap3A_9 = arith.constant 0 : index
    %swap3A_10 = arith.constant 0 : index
    %swap3A_11 = vector.load %arg2[%swap3A, %swap3A_9, %swap3A_10] : memref<1x128x32xf32, #tpu.memory_space<vmem>>, vector<1x128x32xf32>
    tpu.vector_store %arg2[%swap3A, %swap3A_9, %swap3A_10], %reshape3A_8 {strides = array<i32>} : memref<1x128x32xf32, #tpu.memory_space<vmem>>, vector<1x128x32xf32>,
    %reshape3A_12 = vector.shape_cast %squeeze3A : vector<128x32xf32> to vector<1x128x32xf32>
    %swap3A_13 = arith.constant 0 : index
    %swap3A_14 = arith.constant 0 : index
    %swap3A_15 = arith.constant 0 : index
    %swap3A_16 = vector.load %arg3[%swap3A_13, %swap3A_14, %swap3A_15] : memref<1x128x32xf32, #tpu.memory_space<vmem>>, vector<1x128x32xf32>
    tpu.vector_store %arg3[%swap3A_13, %swap3A_14, %swap3A_15], %reshape3A_12 {strides = array<i32>} : memref<1x128x32xf32, #tpu.memory_space<vmem>>, vector<1x128x32xf32>,
    return
  }
  func.func @transform_0(%arg0: i32) -> (i32, i32) {
    %c0_i32 = arith.constant 0 : i32
    %c0_i32_0 = arith.constant 0 : i32
    return %arg0, %c0_i32 : i32, i32
  }
  func.func @transform_1(%arg0: i32) -> (i32, i32, i32) {
    %jit3A = arith.constant 4 : i32
    %div3A = arith.divsi %arg0, %jit3A : i32
    %sign3A = arith.constant 0 : i32
    %sign3A_0 = arith.cmpi sgt, %arg0, %sign3A : i32
    %sign3A_1 = arith.extui %sign3A_0 : i1 to i32
    %sign3A_2 = arith.constant 0 : i32
    %sign3A_3 = arith.cmpi slt, %arg0, %sign3A_2 : i32
    %sign3A_4 = arith.extui %sign3A_3 : i1 to i32
    %sign3A_5 = arith.subi %sign3A_1, %sign3A_4 : i32
    %sign3A_6 = arith.constant 0 : i32
    %sign3A_7 = arith.cmpi sgt, %jit3A, %sign3A_6 : i32
    %sign3A_8 = arith.extui %sign3A_7 : i1 to i32
    %sign3A_9 = arith.constant 0 : i32
    %sign3A_10 = arith.cmpi slt, %jit3A, %sign3A_9 : i32
    %sign3A_11 = arith.extui %sign3A_10 : i1 to i32
    %sign3A_12 = arith.subi %sign3A_8, %sign3A_11 : i32
    %ne3A = arith.cmpi ne, %sign3A_5, %sign3A_12 : i32
    %rem3A = arith.remsi %arg0, %jit3A : i32
    %ne3A_13 = arith.constant 0 : i32
    %ne3A_14 = arith.cmpi ne, %rem3A, %ne3A_13 : i32
    %and3A = arith.andi %ne3A, %ne3A_14 : i1
    %sub3A = arith.constant 1 : i32
    %sub3A_15 = arith.subi %div3A, %sub3A : i32
    %select_n3A = arith.select %and3A, %sub3A_15, %div3A : i32
    %jit3A_16 = arith.constant 4 : i32
    %eq3A = arith.constant 0 : i32
    %eq3A_17 = arith.cmpi eq, %jit3A_16, %eq3A : i32
    %jit3A_18 = arith.constant 1 : i32
    %select_n3A_19 = arith.select %eq3A_17, %jit3A_18, %jit3A_16 : i32
    %rem3A_20 = arith.remsi %arg0, %select_n3A_19 : i32
    %ne3A_21 = arith.constant 0 : i32
    %ne3A_22 = arith.cmpi ne, %rem3A_20, %ne3A_21 : i32
    %lt3A = arith.constant 0 : i32
    %lt3A_23 = arith.cmpi slt, %rem3A_20, %lt3A : i32
    %lt3A_24 = arith.constant 0 : i32
    %lt3A_25 = arith.cmpi slt, %select_n3A_19, %lt3A_24 : i32
    %ne3A_26 = arith.xori %lt3A_23, %lt3A_25 : i1
    %and3A_27 = arith.andi %ne3A_26, %ne3A_22 : i1
    %add3A = arith.addi %rem3A_20, %select_n3A_19 : i32
    %select_n3A_28 = arith.select %and3A_27, %add3A, %rem3A_20 : i32
    %c0_i32 = arith.constant 0 : i32
    %c0_i32_29 = arith.constant 0 : i32
    return %select_n3A, %select_n3A_28, %c0_i32 : i32, i32, i32
  }
  func.func @transform_2(%arg0: i32) -> (i32, i32, i32) {
    %jit3A = arith.constant 4 : i32
    %div3A = arith.divsi %arg0, %jit3A : i32
    %sign3A = arith.constant 0 : i32
    %sign3A_0 = arith.cmpi sgt, %arg0, %sign3A : i32
    %sign3A_1 = arith.extui %sign3A_0 : i1 to i32
    %sign3A_2 = arith.constant 0 : i32
    %sign3A_3 = arith.cmpi slt, %arg0, %sign3A_2 : i32
    %sign3A_4 = arith.extui %sign3A_3 : i1 to i32
    %sign3A_5 = arith.subi %sign3A_1, %sign3A_4 : i32
    %sign3A_6 = arith.constant 0 : i32
    %sign3A_7 = arith.cmpi sgt, %jit3A, %sign3A_6 : i32
    %sign3A_8 = arith.extui %sign3A_7 : i1 to i32
    %sign3A_9 = arith.constant 0 : i32
    %sign3A_10 = arith.cmpi slt, %jit3A, %sign3A_9 : i32
    %sign3A_11 = arith.extui %sign3A_10 : i1 to i32
    %sign3A_12 = arith.subi %sign3A_8, %sign3A_11 : i32
    %ne3A = arith.cmpi ne, %sign3A_5, %sign3A_12 : i32
    %rem3A = arith.remsi %arg0, %jit3A : i32
    %ne3A_13 = arith.constant 0 : i32
    %ne3A_14 = arith.cmpi ne, %rem3A, %ne3A_13 : i32
    %and3A = arith.andi %ne3A, %ne3A_14 : i1
    %sub3A = arith.constant 1 : i32
    %sub3A_15 = arith.subi %div3A, %sub3A : i32
    %select_n3A = arith.select %and3A, %sub3A_15, %div3A : i32
    %jit3A_16 = arith.constant 4 : i32
    %eq3A = arith.constant 0 : i32
    %eq3A_17 = arith.cmpi eq, %jit3A_16, %eq3A : i32
    %jit3A_18 = arith.constant 1 : i32
    %select_n3A_19 = arith.select %eq3A_17, %jit3A_18, %jit3A_16 : i32
    %rem3A_20 = arith.remsi %arg0, %select_n3A_19 : i32
    %ne3A_21 = arith.constant 0 : i32
    %ne3A_22 = arith.cmpi ne, %rem3A_20, %ne3A_21 : i32
    %lt3A = arith.constant 0 : i32
    %lt3A_23 = arith.cmpi slt, %rem3A_20, %lt3A : i32
    %lt3A_24 = arith.constant 0 : i32
    %lt3A_25 = arith.cmpi slt, %select_n3A_19, %lt3A_24 : i32
    %ne3A_26 = arith.xori %lt3A_23, %lt3A_25 : i1
    %and3A_27 = arith.andi %ne3A_26, %ne3A_22 : i1
    %add3A = arith.addi %rem3A_20, %select_n3A_19 : i32
    %select_n3A_28 = arith.select %and3A_27, %add3A, %rem3A_20 : i32
    %c0_i32 = arith.constant 0 : i32
    %c0_i32_29 = arith.constant 0 : i32
    return %select_n3A, %select_n3A_28, %c0_i32 : i32, i32, i32
  }
}

module attributes {stable_mosaic.version = 14 : i64} {
  func.func @_lattice_kernel(%arg0: memref<512x8x32xf32, #tpu.memory_space<vmem>>, %arg1: memref<512x8x32xf32, #tpu.memory_space<vmem>>, %arg2: memref<512x8x31xf32, #tpu.memory_space<vmem>>, %arg3: memref<1x1xf32, #tpu.memory_space<vmem>>, %arg4: memref<544x8x32xf32, #tpu.memory_space<vmem>>, %arg5: memref<544x8x32xf32, #tpu.memory_space<vmem>>) attributes {dimension_semantics = [], scalar_prefetch = 0 : i64, scratch_operands = 2 : i64, tpu.core_type = #tpu.core_type<tc>} {
    %get3A = arith.constant 0 : index
    %get3A_0 = arith.constant 0 : index
    %get3A_1 = arith.constant 0 : index
    %get3A_2 = vector.load %arg2[%get3A, %get3A_0, %get3A_1] : memref<512x8x31xf32, #tpu.memory_space<vmem>>, vector<512x8x31xf32>
    %get3A_3 = arith.constant 0 : index
    %get3A_4 = arith.constant 0 : index
    %get3A_5 = arith.constant 0 : index
    %get3A_6 = vector.load %arg1[%get3A_3, %get3A_4, %get3A_5] : memref<512x8x32xf32, #tpu.memory_space<vmem>>, vector<512x8x32xf32>
    %slice3A = vector.extract_strided_slice %get3A_6 {offsets = [0, 0, 0], sizes = [512, 8, 31], strides = [1, 1, 1]} : vector<512x8x32xf32> to vector<512x8x31xf32>
    %sub3A = arith.subf %get3A_2, %slice3A : vector<512x8x31xf32>
    %broadcast_in_dim3A = arith.constant -1.000000e+09 : f32
    %broadcast_in_dim3A_7 = vector.broadcast %broadcast_in_dim3A : f32 to vector<512x8x1xf32>
    %concatenate3A = tpu.concatenate %sub3A, %broadcast_in_dim3A_7 in 2 : vector<512x8x31xf32>, vector<512x8x1xf32> -> vector<512x8x32xf32>
    %broadcast_in_dim3A_8 = arith.constant -1.000000e+09 : f32
    %broadcast_in_dim3A_9 = vector.broadcast %broadcast_in_dim3A_8 : f32 to vector<32x8x32xf32>
    %get3A_10 = arith.constant 0 : index
    %get3A_11 = arith.constant 0 : index
    %get3A_12 = arith.constant 0 : index
    %get3A_13 = vector.load %arg0[%get3A_10, %get3A_11, %get3A_12] : memref<512x8x32xf32, #tpu.memory_space<vmem>>, vector<512x8x32xf32>
    %concatenate3A_14 = tpu.concatenate %get3A_13, %broadcast_in_dim3A_9 in 0 : vector<512x8x32xf32>, vector<32x8x32xf32> -> vector<544x8x32xf32>
    %concatenate3A_15 = tpu.concatenate %concatenate3A, %broadcast_in_dim3A_9 in 0 : vector<512x8x32xf32>, vector<32x8x32xf32> -> vector<544x8x32xf32>
    %iota3A = tpu.iota {dimensions = array<i32: 2>} : vector<544x8x32xi32>
    %and3A = arith.constant 1 : i32
    %and3A_16 = vector.broadcast %and3A : i32 to vector<544x8x32xi32>
    %and3A_17 = arith.andi %iota3A, %and3A_16 : vector<544x8x32xi32>
    %ne3A = arith.constant 0 : i32
    %ne3A_18 = vector.broadcast %ne3A : i32 to vector<544x8x32xi32>
    %ne3A_19 = arith.cmpi ne, %and3A_17, %ne3A_18 : vector<544x8x32xi32>
    %slice3A_20 = vector.extract_strided_slice %concatenate3A_14 {offsets = [543, 0, 0], sizes = [1, 8, 32], strides = [1, 1, 1]} : vector<544x8x32xf32> to vector<1x8x32xf32>
    %slice3A_21 = vector.extract_strided_slice %concatenate3A_14 {offsets = [0, 0, 0], sizes = [543, 8, 32], strides = [1, 1, 1]} : vector<544x8x32xf32> to vector<543x8x32xf32>
    %concatenate3A_22 = tpu.concatenate %slice3A_20, %slice3A_21 in 0 : vector<1x8x32xf32>, vector<543x8x32xf32> -> vector<544x8x32xf32>
    %select_n3A = arith.select %ne3A_19, %concatenate3A_22, %concatenate3A_14 : vector<544x8x32xi1>, vector<544x8x32xf32>
    %slice3A_23 = vector.extract_strided_slice %concatenate3A_15 {offsets = [543, 0, 0], sizes = [1, 8, 32], strides = [1, 1, 1]} : vector<544x8x32xf32> to vector<1x8x32xf32>
    %slice3A_24 = vector.extract_strided_slice %concatenate3A_15 {offsets = [0, 0, 0], sizes = [543, 8, 32], strides = [1, 1, 1]} : vector<544x8x32xf32> to vector<543x8x32xf32>
    %concatenate3A_25 = tpu.concatenate %slice3A_23, %slice3A_24 in 0 : vector<1x8x32xf32>, vector<543x8x32xf32> -> vector<544x8x32xf32>
    %select_n3A_26 = arith.select %ne3A_19, %concatenate3A_25, %concatenate3A_15 : vector<544x8x32xi1>, vector<544x8x32xf32>
    %and3A_27 = arith.constant 2 : i32
    %and3A_28 = vector.broadcast %and3A_27 : i32 to vector<544x8x32xi32>
    %and3A_29 = arith.andi %iota3A, %and3A_28 : vector<544x8x32xi32>
    %ne3A_30 = arith.constant 0 : i32
    %ne3A_31 = vector.broadcast %ne3A_30 : i32 to vector<544x8x32xi32>
    %ne3A_32 = arith.cmpi ne, %and3A_29, %ne3A_31 : vector<544x8x32xi32>
    %slice3A_33 = vector.extract_strided_slice %select_n3A {offsets = [542, 0, 0], sizes = [2, 8, 32], strides = [1, 1, 1]} : vector<544x8x32xf32> to vector<2x8x32xf32>
    %slice3A_34 = vector.extract_strided_slice %select_n3A {offsets = [0, 0, 0], sizes = [542, 8, 32], strides = [1, 1, 1]} : vector<544x8x32xf32> to vector<542x8x32xf32>
    %concatenate3A_35 = tpu.concatenate %slice3A_33, %slice3A_34 in 0 : vector<2x8x32xf32>, vector<542x8x32xf32> -> vector<544x8x32xf32>
    %select_n3A_36 = arith.select %ne3A_32, %concatenate3A_35, %select_n3A : vector<544x8x32xi1>, vector<544x8x32xf32>
    %slice3A_37 = vector.extract_strided_slice %select_n3A_26 {offsets = [542, 0, 0], sizes = [2, 8, 32], strides = [1, 1, 1]} : vector<544x8x32xf32> to vector<2x8x32xf32>
    %slice3A_38 = vector.extract_strided_slice %select_n3A_26 {offsets = [0, 0, 0], sizes = [542, 8, 32], strides = [1, 1, 1]} : vector<544x8x32xf32> to vector<542x8x32xf32>
    %concatenate3A_39 = tpu.concatenate %slice3A_37, %slice3A_38 in 0 : vector<2x8x32xf32>, vector<542x8x32xf32> -> vector<544x8x32xf32>
    %select_n3A_40 = arith.select %ne3A_32, %concatenate3A_39, %select_n3A_26 : vector<544x8x32xi1>, vector<544x8x32xf32>
    %and3A_41 = arith.constant 4 : i32
    %and3A_42 = vector.broadcast %and3A_41 : i32 to vector<544x8x32xi32>
    %and3A_43 = arith.andi %iota3A, %and3A_42 : vector<544x8x32xi32>
    %ne3A_44 = arith.constant 0 : i32
    %ne3A_45 = vector.broadcast %ne3A_44 : i32 to vector<544x8x32xi32>
    %ne3A_46 = arith.cmpi ne, %and3A_43, %ne3A_45 : vector<544x8x32xi32>
    %slice3A_47 = vector.extract_strided_slice %select_n3A_36 {offsets = [540, 0, 0], sizes = [4, 8, 32], strides = [1, 1, 1]} : vector<544x8x32xf32> to vector<4x8x32xf32>
    %slice3A_48 = vector.extract_strided_slice %select_n3A_36 {offsets = [0, 0, 0], sizes = [540, 8, 32], strides = [1, 1, 1]} : vector<544x8x32xf32> to vector<540x8x32xf32>
    %concatenate3A_49 = tpu.concatenate %slice3A_47, %slice3A_48 in 0 : vector<4x8x32xf32>, vector<540x8x32xf32> -> vector<544x8x32xf32>
    %select_n3A_50 = arith.select %ne3A_46, %concatenate3A_49, %select_n3A_36 : vector<544x8x32xi1>, vector<544x8x32xf32>
    %slice3A_51 = vector.extract_strided_slice %select_n3A_40 {offsets = [540, 0, 0], sizes = [4, 8, 32], strides = [1, 1, 1]} : vector<544x8x32xf32> to vector<4x8x32xf32>
    %slice3A_52 = vector.extract_strided_slice %select_n3A_40 {offsets = [0, 0, 0], sizes = [540, 8, 32], strides = [1, 1, 1]} : vector<544x8x32xf32> to vector<540x8x32xf32>
    %concatenate3A_53 = tpu.concatenate %slice3A_51, %slice3A_52 in 0 : vector<4x8x32xf32>, vector<540x8x32xf32> -> vector<544x8x32xf32>
    %select_n3A_54 = arith.select %ne3A_46, %concatenate3A_53, %select_n3A_40 : vector<544x8x32xi1>, vector<544x8x32xf32>
    %and3A_55 = arith.constant 8 : i32
    %and3A_56 = vector.broadcast %and3A_55 : i32 to vector<544x8x32xi32>
    %and3A_57 = arith.andi %iota3A, %and3A_56 : vector<544x8x32xi32>
    %ne3A_58 = arith.constant 0 : i32
    %ne3A_59 = vector.broadcast %ne3A_58 : i32 to vector<544x8x32xi32>
    %ne3A_60 = arith.cmpi ne, %and3A_57, %ne3A_59 : vector<544x8x32xi32>
    %slice3A_61 = vector.extract_strided_slice %select_n3A_50 {offsets = [536, 0, 0], sizes = [8, 8, 32], strides = [1, 1, 1]} : vector<544x8x32xf32> to vector<8x8x32xf32>
    %slice3A_62 = vector.extract_strided_slice %select_n3A_50 {offsets = [0, 0, 0], sizes = [536, 8, 32], strides = [1, 1, 1]} : vector<544x8x32xf32> to vector<536x8x32xf32>
    %concatenate3A_63 = tpu.concatenate %slice3A_61, %slice3A_62 in 0 : vector<8x8x32xf32>, vector<536x8x32xf32> -> vector<544x8x32xf32>
    %select_n3A_64 = arith.select %ne3A_60, %concatenate3A_63, %select_n3A_50 : vector<544x8x32xi1>, vector<544x8x32xf32>
    %slice3A_65 = vector.extract_strided_slice %select_n3A_54 {offsets = [536, 0, 0], sizes = [8, 8, 32], strides = [1, 1, 1]} : vector<544x8x32xf32> to vector<8x8x32xf32>
    %slice3A_66 = vector.extract_strided_slice %select_n3A_54 {offsets = [0, 0, 0], sizes = [536, 8, 32], strides = [1, 1, 1]} : vector<544x8x32xf32> to vector<536x8x32xf32>
    %concatenate3A_67 = tpu.concatenate %slice3A_65, %slice3A_66 in 0 : vector<8x8x32xf32>, vector<536x8x32xf32> -> vector<544x8x32xf32>
    %select_n3A_68 = arith.select %ne3A_60, %concatenate3A_67, %select_n3A_54 : vector<544x8x32xi1>, vector<544x8x32xf32>
    %and3A_69 = arith.constant 16 : i32
    %and3A_70 = vector.broadcast %and3A_69 : i32 to vector<544x8x32xi32>
    %and3A_71 = arith.andi %iota3A, %and3A_70 : vector<544x8x32xi32>
    %ne3A_72 = arith.constant 0 : i32
    %ne3A_73 = vector.broadcast %ne3A_72 : i32 to vector<544x8x32xi32>
    %ne3A_74 = arith.cmpi ne, %and3A_71, %ne3A_73 : vector<544x8x32xi32>
    %slice3A_75 = vector.extract_strided_slice %select_n3A_64 {offsets = [528, 0, 0], sizes = [16, 8, 32], strides = [1, 1, 1]} : vector<544x8x32xf32> to vector<16x8x32xf32>
    %slice3A_76 = vector.extract_strided_slice %select_n3A_64 {offsets = [0, 0, 0], sizes = [528, 8, 32], strides = [1, 1, 1]} : vector<544x8x32xf32> to vector<528x8x32xf32>
    %concatenate3A_77 = tpu.concatenate %slice3A_75, %slice3A_76 in 0 : vector<16x8x32xf32>, vector<528x8x32xf32> -> vector<544x8x32xf32>
    %select_n3A_78 = arith.select %ne3A_74, %concatenate3A_77, %select_n3A_64 : vector<544x8x32xi1>, vector<544x8x32xf32>
    %slice3A_79 = vector.extract_strided_slice %select_n3A_68 {offsets = [528, 0, 0], sizes = [16, 8, 32], strides = [1, 1, 1]} : vector<544x8x32xf32> to vector<16x8x32xf32>
    %slice3A_80 = vector.extract_strided_slice %select_n3A_68 {offsets = [0, 0, 0], sizes = [528, 8, 32], strides = [1, 1, 1]} : vector<544x8x32xf32> to vector<528x8x32xf32>
    %concatenate3A_81 = tpu.concatenate %slice3A_79, %slice3A_80 in 0 : vector<16x8x32xf32>, vector<528x8x32xf32> -> vector<544x8x32xf32>
    %select_n3A_82 = arith.select %ne3A_74, %concatenate3A_81, %select_n3A_68 : vector<544x8x32xi1>, vector<544x8x32xf32>
    %swap3A = arith.constant 0 : index
    %swap3A_83 = arith.constant 0 : index
    %swap3A_84 = arith.constant 0 : index
    %swap3A_85 = vector.load %arg4[%swap3A, %swap3A_83, %swap3A_84] : memref<544x8x32xf32, #tpu.memory_space<vmem>>, vector<544x8x32xf32>
    tpu.vector_store %arg4[%swap3A, %swap3A_83, %swap3A_84], %select_n3A_78 {strides = array<i32>} : memref<544x8x32xf32, #tpu.memory_space<vmem>>, vector<544x8x32xf32>,
    %swap3A_86 = arith.constant 0 : index
    %swap3A_87 = arith.constant 0 : index
    %swap3A_88 = arith.constant 0 : index
    %swap3A_89 = vector.load %arg5[%swap3A_86, %swap3A_87, %swap3A_88] : memref<544x8x32xf32, #tpu.memory_space<vmem>>, vector<544x8x32xf32>
    tpu.vector_store %arg5[%swap3A_86, %swap3A_87, %swap3A_88], %select_n3A_82 {strides = array<i32>} : memref<544x8x32xf32, #tpu.memory_space<vmem>>, vector<544x8x32xf32>,
    %iota3A_90 = tpu.iota {dimensions = array<i32: 2>} : vector<1x8x32xi32>
    %eq3A = arith.constant 0 : i32
    %eq3A_91 = vector.broadcast %eq3A : i32 to vector<1x8x32xi32>
    %eq3A_92 = arith.cmpi eq, %iota3A_90, %eq3A_91 : vector<1x8x32xi32>
    %jit3A = arith.constant 0.000000e+00 : f32
    %jit3A_93 = arith.constant -1.000000e+09 : f32
    %broadcast_in_dim3A_94 = vector.broadcast %jit3A : f32 to vector<1x8x32xf32>
    %broadcast_in_dim3A_95 = vector.broadcast %jit3A_93 : f32 to vector<1x8x32xf32>
    %select_n3A_96 = arith.select %eq3A_92, %broadcast_in_dim3A_94, %broadcast_in_dim3A_95 : vector<1x8x32xi1>, vector<1x8x32xf32>
    %scan3A = arith.constant 1 : i32
    %scan3A_97 = arith.constant 542 : i32
    %scan3A_98 = arith.addi %scan3A, %scan3A_97 : i32
    %scan3A_99 = arith.constant 1 : i32
    %scan3A_100 = scf.for %scan3A_118 = %scan3A to %scan3A_98 step %scan3A_99 iter_args(%scan3A_119 = %select_n3A_96) -> (vector<1x8x32xf32>)  : i32 {
      %sub3A_120 = arith.constant 1 : i32
      %sub3A_121 = arith.subi %scan3A_118, %sub3A_120 : i32
      %get3A_122 = arith.index_cast %sub3A_121 : i32 to index
      %get3A_123 = arith.constant 0 : index
      %get3A_124 = arith.constant 0 : index
      %get3A_125 = vector.load %arg4[%get3A_122, %get3A_123, %get3A_124] : memref<544x8x32xf32, #tpu.memory_space<vmem>>, vector<1x8x32xf32>
      %sub3A_126 = arith.constant 1 : i32
      %sub3A_127 = arith.subi %scan3A_118, %sub3A_126 : i32
      %get3A_128 = arith.index_cast %sub3A_127 : i32 to index
      %get3A_129 = arith.constant 0 : index
      %get3A_130 = arith.constant 0 : index
      %get3A_131 = vector.load %arg5[%get3A_128, %get3A_129, %get3A_130] : memref<544x8x32xf32, #tpu.memory_space<vmem>>, vector<1x8x32xf32>
      %add3A_132 = arith.addf %scan3A_119, %get3A_131 : vector<1x8x32xf32>
      %broadcast_in_dim3A_133 = arith.constant -1.000000e+09 : f32
      %broadcast_in_dim3A_134 = vector.broadcast %broadcast_in_dim3A_133 : f32 to vector<1x8x1xf32>
      %slice3A_135 = vector.extract_strided_slice %add3A_132 {offsets = [0, 0, 0], sizes = [1, 8, 31], strides = [1, 1, 1]} : vector<1x8x32xf32> to vector<1x8x31xf32>
      %concatenate3A_136 = tpu.concatenate %broadcast_in_dim3A_134, %slice3A_135 in 2 : vector<1x8x1xf32>, vector<1x8x31xf32> -> vector<1x8x32xf32>
      %add3A_137 = arith.addf %scan3A_119, %get3A_125 : vector<1x8x32xf32>
      %max3A = arith.maximumf %add3A_137, %concatenate3A_136 : vector<1x8x32xf32>
      %sub3A_138 = arith.subf %add3A_137, %concatenate3A_136 : vector<1x8x32xf32>
      %abs3A = math.absf %sub3A_138 : vector<1x8x32xf32>
      %neg3A_139 = arith.constant 0.000000e+00 : f32
      %neg3A_140 = vector.broadcast %neg3A_139 : f32 to vector<1x8x32xf32>
      %neg3A_141 = arith.subf %neg3A_140, %abs3A : vector<1x8x32xf32>
      %exp3A = math.exp %neg3A_141 : vector<1x8x32xf32>
      %log1p3A = math.log1p %exp3A : vector<1x8x32xf32>
      %add3A_142 = arith.addf %max3A, %log1p3A : vector<1x8x32xf32>
      scf.yield %add3A_142 : vector<1x8x32xf32>
    }
    %scan3A_101 = arith.constant 542 : i32
    %slice3A_102 = vector.extract_strided_slice %scan3A_100 {offsets = [0, 0, 31], sizes = [1, 8, 1], strides = [1, 1, 1]} : vector<1x8x32xf32> to vector<1x8x1xf32>
    %squeeze3A = vector.shape_cast %slice3A_102 : vector<1x8x1xf32> to vector<1x8xf32>
    %get3A_103 = arith.constant 542 : index
    %get3A_104 = arith.constant 0 : index
    %get3A_105 = arith.constant 0 : index
    %get3A_106 = vector.load %arg4[%get3A_103, %get3A_104, %get3A_105] : memref<544x8x32xf32, #tpu.memory_space<vmem>>, vector<1x8x32xf32>
    %slice3A_107 = vector.extract_strided_slice %get3A_106 {offsets = [0, 0, 31], sizes = [1, 8, 1], strides = [1, 1, 1]} : vector<1x8x32xf32> to vector<1x8x1xf32>
    %squeeze3A_108 = vector.shape_cast %slice3A_107 : vector<1x8x1xf32> to vector<1x8xf32>
    %add3A = arith.addf %squeeze3A, %squeeze3A_108 : vector<1x8xf32>
    %reduce_sum3A = arith.constant dense<0.000000e+00> : vector<1xf32>
    %reduce_sum3A_109 = vector.multi_reduction <add>, %add3A, %reduce_sum3A [1] : vector<1x8xf32> to vector<1xf32>
    %broadcast_in_dim3A_110 = vector.shape_cast %reduce_sum3A_109 : vector<1xf32> to vector<1x1xf32>
    %neg3A = arith.constant 0.000000e+00 : f32
    %neg3A_111 = vector.broadcast %neg3A : f32 to vector<1x1xf32>
    %neg3A_112 = arith.subf %neg3A_111, %broadcast_in_dim3A_110 : vector<1x1xf32>
    %div3A = arith.constant 8.000000e+00 : f32
    %div3A_113 = vector.broadcast %div3A : f32 to vector<1x1xf32>
    %div3A_114 = arith.divf %neg3A_112, %div3A_113 : vector<1x1xf32>
    %swap3A_115 = arith.constant 0 : index
    %swap3A_116 = arith.constant 0 : index
    %swap3A_117 = vector.load %arg3[%swap3A_115, %swap3A_116] : memref<1x1xf32, #tpu.memory_space<vmem>>, vector<1x1xf32>
    tpu.vector_store %arg3[%swap3A_115, %swap3A_116], %div3A_114 {strides = array<i32>} : memref<1x1xf32, #tpu.memory_space<vmem>>, vector<1x1xf32>,
    return
  }
}

</mosaic_0001>

<sc_bundles>
// kernel: kernel.5.cloned.1.call-start
scs
__scs_entry_jumppad:
0x0: {  	(pc) =	sbr.rel $0x88, $3  }
0x1: {  	(tag) =	ssettag $0x0;
	lr =	simm.s32 $0x1  }
0x2: {  	[smem:$0x3F9F] =	sst lr;
	_ =	strace $0xD0000000  }
0x3: {  	_ = 	snop  }
0x4: {  	_ = 	snop  }
0x5: {  	_ = 	snop  }
0x6: {  	_ = 	snop  }
0x7: {  	_ = 	snop  }
__scs_overlays_trampoline_lowered:
0x8: {  	[smem:$0x3FAE] =	sst s0  }
0x9: {  	[smem:$0x3FAF] =	sst s1  }
0xa: {  	[smem:$0x3FB0] =	sst s2  }
0xb: {  	[smem:$0x3FB1] =	sst s3  }
0xc: {  	[smem:$0x3FB2] =	sst s4  }
0xd: {  	[smem:$0x3FB3] =	sst s5  }
0xe: {  	[smem:$0x3FB4] =	sst s6  }
0xf: {  	[smem:$0x3FB5] =	sst s7  }
0x10: {  	[smem:$0x3FB6] =	sst s8  }
0x11: {  	[smem:$0x3FB7] =	sst s9;
	s0 =	simm.s32 @!p0 $0x0  }
0x12: {  	s1 =	sld [smem:$0x3F9D];
	s0 =	simm.s32 @p0 $0x1  }
0x13: {  	[smem:$0x3FB8] =	sst s0;
	s0 =	simm.s32 @!p1 $0x0  }
0x14: {  	s2 =	sld [smem:$0x3F9C];
	s0 =	simm.s32 @p1 $0x1  }
0x15: {  	[smem:$0x3FB9] =	sst s0;
	s0 =	simm.s32 @!p2 $0x0  }
0x16: {  	s3 =	sld [smem:$0x3FDB];
	s0 =	simm.s32 @p2 $0x1  }
0x17: {  	s4 =	simm.s32 $0x1BF5;
	[smem:$0x3FBB] =	sst s0  }
0x18: {  	s0 =	sld [smem:$0x3F9E];
	_ =	swait.ge [sflag:s4], $0x0  }
0x19: {  	s7 =	sld [smem:$0x3F9F]  }
0x1a: {  	s8 =	sadd.s32 $0xFFFFE003, lr  }
0x1b: {  	s9 =	sadd.s32 $0xFFFFFEF7, lr;
	s5 =	simm.s32 $0xFFFFFFFF;
	p2 =	slt.u32 s8, $0xFFFFF086  }
0x1c: {  	p1 =	slt.u32 s9, $0xF7A;
	s5 =	simm.s32 @!p2 $0x0  }
0x1d: {  	s5 =	simm.s32 @p1 $0x1;
	p0 =	seq.s32 s7, s2  }
0x1e: {  	s7 =	smul.u32 @!p0 $0xF7A, s2;
	p2 =	seq.s32 @!p0 s5, $0x0  }
0x1f: {  	s9 =	smul.u32 $0xF7A, s1;
	s8 =	simm.s32 @!p0 $0x1BF5;
	p2 =	por !p2, p0  }
0x20: {  	[sflag:s8] =	ssyncset.s32 @!p0 $0xFFFFF086;
	s6 =	sadd.s32 @!p0 s3, s7;
	s7 =	simm.s32 @!p0 $0x108  }
0x21: {  	s3 =	sadd.s32 s3, s9;
	s6 =	sadd.s32 @!p0 $0x88, s6;
	s7 =	simm.s32 @p2 $0x1082  }
0x22: {  	[simem:s7], [sflag:s8] =	dma.local @!p0 [hbm:s6], $0xF7A  }
0x23: {  	s9 =	sor.u32 $0xD0000000, s2;
	s6 =	simm.s32 $0x108;
	_ =	swait.ge @!p0 [sflag:s8], $0x0  }
0x24: {  	s3 =	sadd.s32 $0x88, s3;
	s6 =	simm.s32 @!p1 $0x1082;
	[sflag:s4] =	ssyncset.s32 $0xFFFFF086  }
0x25: {  	[simem:s6], [sflag:s4] =	dma.local [hbm:s3], $0xF7A  }
0x26: {  	[smem:$0x3F9F] =	sst s1;
	(tag) =	ssettag s2;
	_ =	strace s9  }
0x27: {  	s1 =	sld [smem:$0x3FAF]  }
0x28: {  	s2 =	sld [smem:$0x3FB0]  }
0x29: {  	s4 =	sld [smem:$0x3FB2]  }
0x2a: {  	p0 =	seq.s32 s5, $0x0;
	s5 =	sld [smem:$0x3FB3]  }
0x2b: {  	s6 =	sld [smem:$0x3FB4]  }
0x2c: {  	s7 =	sld [smem:$0x3FB5]  }
0x2d: {  	s3 =	simm.s32 $0x108;
	s8 =	sld [smem:$0x3FB6]  }
0x2e: {  	s3 =	simm.s32 @!p0 $0x1082;
	s9 =	sld [smem:$0x3FB7]  }
0x2f: {  	lr =	sadd.s32 s0, s3;
	s0 =	sld [smem:$0x3FAE]  }
0x30: {  	s3 =	sld [smem:$0x3FB1]  }
0x31: {  	[smem:$0x3FBA] =	sst s10  }
0x32: {  	s10 =	sld [smem:$0x3FB8];
	_ =	sdelay $0x3  }
0x33: {  	p0 =	seq.s32 s10, $0x1;
	s10 =	sld [smem:$0x3FBA];
	_ =	sdelay $0x3  }
0x34: {  	[smem:$0x3FBA] =	sst s10  }
0x35: {  	s10 =	sld [smem:$0x3FB9];
	_ =	sdelay $0x3  }
0x36: {  	p1 =	seq.s32 s10, $0x1;
	s10 =	sld [smem:$0x3FBA];
	_ =	sdelay $0x3  }
0x37: {  	[smem:$0x3FBA] =	sst s10  }
0x38: {  	s10 =	sld [smem:$0x3FBB]  }
0x39: {  	_ = 	snop;
	(pc) =	sbr.ind lr, $3  }
0x3a: {  	_ = 	snop  }
0x3b: {  	_ = 	snop  }
0x3c: {  	p2 =	seq.s32 s10, $0x1;
	s10 =	sld [smem:$0x3FBA]  }
0x3d: {  	_ =	shalt  }
0x3e: {  	_ =	shalt  }
0x3f: {  	_ =	shalt  }
0x40: {  	_ =	shalt  }
0x41: {  	_ =	shalt  }
0x42: {  	_ =	shalt  }
0x43: {  	_ =	shalt  }
0x44: {  	_ =	shalt  }
0x45: {  	_ =	shalt  }
0x46: {  	_ =	shalt  }
0x47: {  	_ =	shalt  }
0x48: {  	_ =	shalt  }
0x49: {  	_ =	shalt  }
0x4a: {  	_ =	shalt  }
0x4b: {  	_ =	shalt  }
0x4c: {  	_ =	shalt  }
0x4d: {  	_ =	shalt  }
0x4e: {  	_ =	shalt  }
0x4f: {  	_ =	shalt  }
0x50: {  	_ =	shalt  }
0x51: {  	_ =	shalt  }
0x52: {  	_ =	shalt  }
0x53: {  	_ =	shalt  }
0x54: {  	_ =	shalt  }
0x55: {  	_ =	shalt  }
0x56: {  	_ =	shalt  }
0x57: {  	_ =	shalt  }
0x58: {  	_ =	shalt  }
0x59: {  	_ =	shalt  }
0x5a: {  	_ =	shalt  }
0x5b: {  	_ =	shalt  }
0x5c: {  	_ =	shalt  }
0x5d: {  	_ =	shalt  }
0x5e: {  	_ =	shalt  }
0x5f: {  	_ =	shalt  }
0x60: {  	_ =	shalt  }
0x61: {  	_ =	shalt  }
0x62: {  	_ =	shalt  }
0x63: {  	_ =	shalt  }
0x64: {  	_ =	shalt  }
0x65: {  	_ =	shalt  }
0x66: {  	_ =	shalt  }
0x67: {  	_ =	shalt  }
0x68: {  	_ =	shalt  }
0x69: {  	_ =	shalt  }
0x6a: {  	_ =	shalt  }
0x6b: {  	_ =	shalt  }
0x6c: {  	_ =	shalt  }
0x6d: {  	_ =	shalt  }
0x6e: {  	_ =	shalt  }
0x6f: {  	_ =	shalt  }
0x70: {  	_ =	shalt  }
0x71: {  	_ =	shalt  }
0x72: {  	_ =	shalt  }
0x73: {  	_ =	shalt  }
0x74: {  	_ =	shalt  }
0x75: {  	_ =	shalt  }
0x76: {  	_ =	shalt  }
0x77: {  	_ =	shalt  }
0x78: {  	_ =	shalt  }
0x79: {  	_ =	shalt  }
0x7a: {  	_ =	shalt  }
0x7b: {  	_ =	shalt  }
0x7c: {  	_ =	shalt  }
0x7d: {  	_ =	shalt  }
0x7e: {  	_ =	shalt  }
0x7f: {  	_ =	shalt  }
0x80: {  	_ =	shalt  }
0x81: {  	_ =	shalt  }
0x82: {  	_ =	shalt  }
0x83: {  	_ =	shalt  }
0x84: {  	_ =	shalt  }
0x85: {  	_ =	shalt  }
0x86: {  	_ =	shalt  }
0x87: {  	_ =	shalt  }
.Lfunc_end0:
.L_simem_size_0:
called_computation.1_lowered:
.L_overlay_start_0:
0x88: {  	s2 =	sld [smem:$0x3FD9]  }
0x89: {  	s3 =	sld [smem:$0x3FFE];
	_ =	sdelay $0x1  }
0x8a: {  	s1 =	srdreg.scid  }
0x8b: {  	s0 =	sand.u32 $0x1, s1  }
0x8c: {  	s16 =	sshll.u32 s0, $0xA;
	s2 =	sadd.s32 s3, s2  }
0x8d: {  	s2 =	sadd.s32 s2, s16  }
0x8e: {  	[smem:$0x3FC6] =	sst s2  }
0x8f: {  	_ = 	snop  }
0x90: {  	(tm) =	ssettm $0x1  }
0x91: {  	s17 =	sld [smem:$0x3FFB];
	_ =	sdelay $0x3  }
0x92: {  	_ =	strace s17  }
0x93: {  	s2 =	sld [smem:$0x3FFC];
	_ =	sdelay $0x3  }
0x94: {  	_ =	strace s2  }
0x95: {  	s2 =	sld [smem:$0x3FFD];
	_ =	sdelay $0x3  }
0x96: {  	_ =	strace s2  }
0x97: {  	_ =	strace $0x8FFFFFFF  }
0x98: {  	s18 =	sld [smem:$0x3FDB];
	_ =	sdelay $0x1  }
0x99: {  	s19 =	simm.s32 $_scs_section_size  }
0x9a: {  	s4 =	simm.s32 $_size__tile_overlayer_lowered;
	s5 =	simm.s32 $_tile_overlayer_lowered  }
0x9b: {  	s22 =	simm.s32 $0x1BFF;
	s21 =	sshll.u32 s5, $0x1;
	s2 =	sadd.s32 s19, s18  }
0x9c: {  	s6 =	simm.s32 $0x0;
	s20 =	sshll.u32 s4, $0x1;
	s4 =	sadd.s32 s21, s2  }
0x9d: {  	[timem:s6], [sflag:s22] =	dma.local [hbm:s4], s20  }
0x9e: {  	_ =	swait.ge [sflag:s22], s20  }
0x9f: {  	s3 =	ssub.s32 $0x0, s20;
	[sflag:s22] =	ssyncset.done $0x0  }
0xa0: {  	[sflag:s22] =	ssyncadd.s32 s3;
	_ =	sdelay $0x1  }
0xa1: {  	s23 =	simm.s32 $0x1B8B  }
0xa2: {  	_ =	swait.ge [sflag:s23], $0x1  }
0xa3: {  	[sflag:s23] =	ssyncset.done $0x0  }
0xa4: {  	s25 =	simm.s32 $0x1B8E;
	s24 =	sld [smem:$0x3FFE];
	[sflag:s23] =	ssyncadd.s32 $0xFFFFFFFF  }
0xa5: {  	s26 =	simm.s32 $execute0_lowered;
	[smem:$0x3FD2] =	sst s25  }
0xa6: {  	s4 =	sshll.u32 s26, $0x1;
	_ =	strace $0x80000049;
	[dreg:$0x1] =	wrdreg $0xFFFFFFFF  }
0xa7: {  	s28 =	simm.s32 $_size_execute0_lowered;
	s2 =	sadd.s32 s2, s4;
	[dreg:$0x0] =	wrdreg $0x0  }
0xa8: {  	s4 =	sshll.u32 s28, $0x1;
	[dreg:$0x2] =	wrdreg s2  }
0xa9: {  	[dreg:$0x3] =	wrdreg s4  }
0xaa: {  	[dreg:$0x4] =	wrdreg $0xC0  }
0xab: {  	_ =	task [dreg:s6], $0x5FFFF  }
0xac: {  	[dreg:$0x1] =	wrdreg $0xFFFFFFFF  }
0xad: {  	[dreg:$0x0] =	wrdreg $0x60  }
0xae: {  	[dreg:$0x2] =	wrdreg s24  }
0xaf: {  	[dreg:$0x3] =	wrdreg $0x9  }
0xb0: {  	_ =	task.clear_ibuf [dreg:s6], $0x4FFFF;
	_ =	strace $0x90000049  }
0xb1: {  	s29 =	simm.s32 $0x9;
	_ =	strace $0x8000004B  }
0xb2: {  	_ =	swait.ge [sflag:s29], $0x1  }
0xb3: {  	[sflag:s29] =	ssyncadd.s32 $0xFFFFFFFF  }
0xb4: {  	_ =	strace $0x9000004B  }
0xb5: {  	_ =	sfence  }
0xb6: {  	s30 =	sld [smem:$0x0];
	_ =	sdelay $0x2  }
0xb7: {  	s31 =	sshll.u32 s1, $0xD;
	s1 =	sshrl.u32 s1, $0x2  }
0xb8: {  	s3 =	sand.u32 $0x4000, s31;
	s1 =	sadd.s32 s1, s30  }
0xb9: {  	s0 =	sor.u32 s3, s0;
	s1 =	sshll.u32 s1, $0x11  }
0xba: {  	s0 =	sor.u32 s1, s0  }
0xbb: {  	s0 =	sadd.s32 $0x8F2B, s0  }
0xbc: {  	[sflag:s0] =	ssyncadd.remote.s32 $0x1  }
0xbd: {  	_ =	sfence.sel $0xFFFF  }
0xbe: {  	[dreg:$0x0] =	wrdreg $0xFFFFFFFF;
	(pc) =	sbr.abs _section_cstart, $3  }
0xbf: {  	[dreg:$0x1] =	wrdreg $0xFFFFFFFF  }
0xc0: {  	_ =	task.clear_ibuf [dreg:s6], $0x2FFFF;
	_ =	strace $0x9FFFFFFF  }
0xc1: {  	(tm) =	ssettm $0x7FFFFFFF  }
tec
execute0_lowered:
.L_overlay_start_1:
0x0: {  	(tag) =	ssettag $0x1  }
0x1: {  	s1 =	srdreg.scid;
	s0 =	stileid.u32  }
0x2: {  	s6 =	sand.u32 $0x1, s1;
	s31 =	sshll.u32 s0, $0x1  }
0x3: {  	s1 =	sor.u32 s6, s31  }
0x4: {  	s5 =	rddreg [dreg:$0x0];
	s2 =	simm.s32 $0x0;
	s3 =	smul.u32 $0x1F0, s1  }
0x5: {  	[smem:$0x7FF] =	sst s2  }
0x6: {  	s9 =	ssub.s32 $0x2, s6;
	s1 =	rddreg [dreg:$0x1];
	s8 =	sadd.s32 s3, s5  }
0x7: {  	_ =	strace $0x8000004A;
	s3 =	simm.s32 $0x2;
	s4 =	sadd.s32 $0x800E00, s8  }
0x8: {  	[tilespmem:s2], [sflag:$0x2] =	stream.linear.gather [hbm4b:s4+s2], $0xF80, $0x38;
	[tilespmem:$0x1F00] =	vst v63  }
0x9: {  	s7 =	simm.s32 $0x1;
	s10 =	sshrl.u32 s9, $0x1;
	_ =	swait.ge [sflag:s3], $0xF80  }
0xa: {  	s6 =	simm.s32 $0xF80;
	s9 =	ssub.s32 s9, s10;
	[sflag:s3] =	ssyncset.done $0x0  }
0xb: {  	s5 =	sadd.s32 $0xE00, s5;
	s9 =	smax.u32 s9, $0x1;
	[sflag:s3] =	ssyncadd.s32 $0xFFFFF080  }
0xc: {  	[tilespmem:s6], [sflag:$0x1] =	stream.indirect.gather [hbm4b:s5+s6], $0x1, s2, s6, $0xb8;
	[tilespmem:$0x1F00] =	vst v63  }
0xd: {  	p0 =	sne.s32 s9, $0x1;
	_ =	swait.ge [sflag:s7], $0xF80  }
.Ltmp0:
0xe: {  	[sflag:s7] =	ssyncset.done $0x0;
	(pc) =	sbr.rel @!p0 .LBB2_2-.Ltmp0, $4  }
0xf: {  	s8 =	sadd.s32 $0x804C00, s8;
	[sflag:s7] =	ssyncadd.s32 $0xFFFFF080  }
0x10: {  	[hbm4b:s8+s2] =	stream.linear.scatter [tilespmem:s6], [sflag:$0x2], $0xF80, $0x38;
	[tilespmem:$0x1F00] =	vst v63  }
0x11: {  	_ =	swait.ge [sflag:s3], $0xF80  }
0x12: {  	s9 =	sadd.s32 $0xFFFFFFFF, s9;
	[sflag:s3] =	ssyncset.done $0x0  }
.LBB2_1:
0x13: {  	p0 =	sne.s32 s9, $0x1;
	s9 =	sadd.s32 $0xFFFFFFFF, s9;
	[sflag:s3] =	ssyncadd.s32 $0xFFFFF080  }
0x14: {  	[tilespmem:s2], [sflag:$0x2] =	stream.linear.gather [hbm4b:s4+s2], $0xF80, $0x38;
	[tilespmem:$0x1F00] =	vst v63  }
0x15: {  	_ =	swait.ge [sflag:s3], $0xF80  }
0x16: {  	[sflag:s3] =	ssyncset.done $0x0  }
0x17: {  	[sflag:s3] =	ssyncadd.s32 $0xFFFFF080  }
0x18: {  	[tilespmem:s6], [sflag:$0x1] =	stream.indirect.gather [hbm4b:s5+s6], $0x1, s2, s6, $0xb8;
	[tilespmem:$0x1F00] =	vst v63  }
0x19: {  	_ =	swait.ge [sflag:s7], $0xF80  }
.Ltmp1:
0x1a: {  	[sflag:s7] =	ssyncset.done $0x0;
	(pc) =	sbr.rel @p0 .LBB2_1-.Ltmp1, $4  }
0x1b: {  	[sflag:s7] =	ssyncadd.s32 $0xFFFFF080  }
0x1c: {  	[hbm4b:s8+s2] =	stream.linear.scatter [tilespmem:s6], [sflag:$0x2], $0xF80, $0x38;
	[tilespmem:$0x1F00] =	vst v63  }
0x1d: {  	_ =	swait.ge [sflag:s3], $0xF80  }
0x1e: {  	[sflag:s3] =	ssyncset.done $0x0  }
.LBB2_2:
0x1f: {  	[sflag:s3] =	ssyncadd.s32 $0xFFFFF080  }
0x20: {  	_ =	sfence.sel $0x180000  }
0x21: {  	[bflag:$0x0] =	sbarrier.arrive $0xFFFF  }
0x22: {  	p0 =	sne.s32 s0, $0x0;
	_ =	strace $0x9000004A  }
0x23: {  	s0 =	sadd.s32 @!p0 $0x100000, s1;
	[bflag:$0x2] =	sbarrier.arrive $0xFFFF  }
0x24: {  	[sflag:s0] =	ssyncadd.tile.s32 @!p0 $0x1;
	_ =	shalt  }
.Lfunc_end2:
_tile_overlayer_lowered:
.L_overlay_start_2:
0x25: {  	(tag) =	ssettag $0x2  }
0x26: {  	s0 =	rddreg [dreg:$0x0];
	s2 =	stileid.u32  }
0x27: {  	s1 =	rddreg [dreg:$0x1];
	p0 =	sne.s32 s2, $0x0  }
0x28: {  	s3 =	rddreg [dreg:$0x2];
	[bflag:$0x3] =	sbarrier.arrive $0xFFFF;
	s2 =	simm.s32 @!p0 $0x1C02  }
0x29: {  	[timem:s3], [sflag:s2] =	dma.local @!p0 [hbm:s0], s1  }
0x2a: {  	s0 =	simm.s32 @!p0 $0x2  }
0x2b: {  	_ =	swait.ge @!p0 [sflag:s0], s1  }
0x2c: {  	s1 =	ssub.s32 @!p0 $0x0, s1;
	[sflag:s0] =	ssyncset.done @!p0 $0x0  }
0x2d: {  	[sflag:s0] =	ssyncadd.s32 @!p0 s1  }
0x2e: {  	[bflag:$0x3] =	sbarrier.arrive $0xFFFF  }
0x2f: {  	_ =	shalt  }

// kernel: sparse-core-data-format-call.cloned.1.call-start
scs
called_computation_lowered:
.L_overlay_start_0:
0x0: {  	s2 =	sld [smem:$0x3FD9]  }
0x1: {  	s3 =	sld [smem:$0x3FFE];
	_ =	sdelay $0x1  }
0x2: {  	s1 =	srdreg.scid  }
0x3: {  	s0 =	sand.u32 $0x1, s1  }
0x4: {  	s18 =	sshll.u32 s0, $0xA;
	s2 =	sadd.s32 s3, s2  }
0x5: {  	s2 =	sadd.s32 s2, s18  }
0x6: {  	[smem:$0x3FC6] =	sst s2  }
0x7: {  	_ = 	snop  }
0x8: {  	s2 =	sld [smem:$0x3FC9];
	(tm) =	ssettm $0x1  }
0x9: {  	s19 =	sld [smem:$0x3FFB];
	_ =	sdelay $0x3  }
0xa: {  	_ =	strace s19  }
0xb: {  	s3 =	sld [smem:$0x3FFC];
	_ =	sdelay $0x3  }
0xc: {  	_ =	strace s3  }
0xd: {  	s3 =	sld [smem:$0x3FFD];
	_ =	sdelay $0x3  }
0xe: {  	_ =	strace s3  }
0xf: {  	_ =	strace $0x8FFFFFFF  }
0x10: {  	s20 =	sld [smem:$0x3FDB];
	_ =	sdelay $0x1  }
0x11: {  	s4 =	simm.s32 $_scs_section_size  }
0x12: {  	s5 =	simm.s32 $_size__tile_overlayer_lowered;
	s6 =	simm.s32 $_tile_overlayer_lowered  }
0x13: {  	s23 =	simm.s32 $0x1BFF;
	s22 =	sshll.u32 s6, $0x1;
	s3 =	sadd.s32 s4, s20  }
0x14: {  	s7 =	simm.s32 $0x0;
	s21 =	sshll.u32 s5, $0x1;
	s5 =	sadd.s32 s22, s3  }
0x15: {  	[timem:s7], [sflag:s23] =	dma.local [hbm:s5], s21  }
0x16: {  	_ =	swait.ge [sflag:s23], s21  }
0x17: {  	s4 =	ssub.s32 $0x0, s21;
	[sflag:s23] =	ssyncset.done $0x0  }
0x18: {  	[sflag:s23] =	ssyncadd.s32 s4;
	_ =	sdelay $0x1  }
0x19: {  	s24 =	simm.s32 $0x1B8B  }
0x1a: {  	_ =	swait.ge [sflag:s24], $0x1  }
0x1b: {  	[sflag:s24] =	ssyncset.done $0x0  }
0x1c: {  	s26 =	simm.s32 $0x1B8E;
	s25 =	sld [smem:$0x3FFE];
	[sflag:s24] =	ssyncadd.s32 $0xFFFFFFFF  }
0x1d: {  	s27 =	simm.s32 $execute0_lowered;
	[smem:$0x3FD2] =	sst s26  }
0x1e: {  	s5 =	sshll.u32 s27, $0x1;
	_ =	strace $0x80000046;
	[dreg:$0x1] =	wrdreg $0xFFFFFFFF  }
0x1f: {  	s28 =	simm.s32 $_size_execute0_lowered;
	s3 =	sadd.s32 s3, s5;
	[dreg:$0x0] =	wrdreg $0x0  }
0x20: {  	s5 =	sshll.u32 s28, $0x1;
	[dreg:$0x2] =	wrdreg s3  }
0x21: {  	[dreg:$0x3] =	wrdreg s5  }
0x22: {  	[dreg:$0x4] =	wrdreg $0xC0  }
0x23: {  	_ =	task [dreg:s7], $0x5FFFF  }
0x24: {  	[dreg:$0x1] =	wrdreg $0xFFFFFFFF  }
0x25: {  	[dreg:$0x0] =	wrdreg $0x60  }
0x26: {  	[dreg:$0x2] =	wrdreg s2  }
0x27: {  	[dreg:$0x3] =	wrdreg s25  }
0x28: {  	[dreg:$0x4] =	wrdreg $0x9  }
0x29: {  	_ =	task.clear_ibuf [dreg:s7], $0x5FFFF;
	_ =	strace $0x90000046  }
0x2a: {  	s29 =	simm.s32 $0x9;
	_ =	strace $0x80000048  }
0x2b: {  	_ =	swait.ge [sflag:s29], $0x1  }
0x2c: {  	[sflag:s29] =	ssyncadd.s32 $0xFFFFFFFF  }
0x2d: {  	_ =	strace $0x90000048  }
0x2e: {  	_ =	sfence  }
0x2f: {  	s30 =	sld [smem:$0x0];
	_ =	sdelay $0x2  }
0x30: {  	s31 =	sshll.u32 s1, $0xD;
	s1 =	sshrl.u32 s1, $0x2  }
0x31: {  	s3 =	sand.u32 $0x4000, s31;
	s1 =	sadd.s32 s1, s30  }
0x32: {  	s0 =	sor.u32 s3, s0;
	s1 =	sshll.u32 s1, $0x11  }
0x33: {  	s0 =	sor.u32 s1, s0  }
0x34: {  	s0 =	sadd.s32 $0x8F2B, s0  }
0x35: {  	[sflag:s0] =	ssyncadd.remote.s32 $0x1  }
0x36: {  	_ =	sfence.sel $0xFFFF  }
0x37: {  	[dreg:$0x0] =	wrdreg $0xFFFFFFFF;
	(pc) =	sbr.abs _section_cstart, $3  }
0x38: {  	[dreg:$0x1] =	wrdreg $0xFFFFFFFF  }
0x39: {  	_ =	task.clear_ibuf [dreg:s7], $0x2FFFF;
	_ =	strace $0x9FFFFFFF  }
0x3a: {  	(tm) =	ssettm $0x7FFFFFFF  }
0x3b: {  	_ =	shalt  }
tec
execute0_lowered:
.L_overlay_start_1:
0x0: {  	(tag) =	ssettag $0x1  }
0x1: {  	s0 =	srdreg.scid  }
0x2: {  	s1 =	sshll.u32 s0, $0x4  }
0x3: {  	s2 =	rddreg [dreg:$0x0];
	s0 =	stileid.u32;
	s1 =	sand.u32 $0x10, s1  }
0x4: {  	s4 =	rddreg [dreg:$0x1];
	s7 =	simm.s32 $0x1;
	s1 =	sor.u32 s0, s1  }
0x5: {  	s8 =	simm.s32 $0x2;
	s9 =	simm.s32 $0x0;
	s3 =	sshll.u32 s1, $0x2  }
0x6: {  	s12 =	simm.s32 $0x0;
	s11 =	simm.s32 $0x0;
	s6 =	ssub.s32 $0x4000, s3  }
.Ltmp0:
0x7: {  	s4 =	sadd.s32 $0xE00, s4;
	s5 =	sand.u32 $0x7C, s6;
	(pc) =	sbr.rel .LBB1_1-.Ltmp0, $4  }
0x8: {  	s1 =	rddreg [dreg:$0x2];
	_ =	strace $0x80000047;
	p0 =	sne.s32 s5, $0x0  }
0x9: {  	s6 =	sshrl.u32 s6, $0x7;
	s5 =	simm.s32 $0x1;
	s7 =	simm.s32 @!p0 $0x0  }
0xa: {  	s10 =	smov.u32 s3;
	[sflag:s5] =	ssyncpa.u1 $0x0;
	s6 =	sadd.s32 s7, s6  }
0xb: {  	[sflag:s8] =	ssyncpa.u1 $0x0;
	s8 =	simm.s32 $0x0;
	s7 =	sadd.s32 $0x1, s6  }
.LBB1_9:
0xc: {  	s14 =	sadd.s32 $0x80, s10  }
0xd: {  	p1 =	sgt.s32 s14, $0x3FFF  }
0xe: {  	s14 =	smov.u32 @p1 s3;
	p1 =	sne.s32 s11, s7  }
.Ltmp1:
0xf: {  	p0 =	slt.u32 s11, $0x2;
	(pc) =	sbr.rel @!p1 .LBB1_10-.Ltmp1, $4  }
0x10: {  	s13 =	simm.s32 @!p0 $0x2  }
0x11: {  	s15 =	sadd.s32 $0x1, s11;
	_ =	swait.ge @!p0 [sflag:s13], $0x4000  }
0x12: {  	s12 =	smov.u32 s10;
	s9 =	sadd.s32 $0x4000, s9;
	[sflag:s13] =	ssyncset.done @!p0 $0x0  }
0x13: {  	s11 =	smov.u32 s15;
	s10 =	smov.u32 s14;
	[sflag:s13] =	ssyncadd.s32 @!p0 $0xFFFFC000  }
.LBB1_1:
0x14: {  	p0 =	sge.u32 s11, s6  }
0x15: {  	s13 =	sxor.u32 @!p0 $0xFFFFFFFF, s11  }
0x16: {  	s31 =	sadd.s32 $0xFFFFFFFF, s11;
	s14 =	sshll.u32 @!p0 s10, $0x9;
	s13 =	sshll.u32 @!p0 s13, $0xE  }
0x17: {  	s15 =	simm.s32 @!p0 $0x0;
	s14 =	sadd.s32 @!p0 s2, s14;
	s13 =	sand.u32 @!p0 $0x4000, s13  }
0x18: {  	[tilespmem:s13], [sflag:$0x1] =	stream.linear.gather @!p0 [hbm4b:s14+s15], $0x4000, $0x38;
	[tilespmem:$0x10000] =	vst v63  }
0x19: {  	p0 =	sge.u32 s31, s6  }
.Ltmp2:
0x1a: {  	_ = 	snop;
	(pc) =	sbr.rel @p0 .LBB1_9-.Ltmp2, $1  }
0x1b: {  	_ =	sdelay $0x3  }
0x1c: {  	s14 =	sand.u32 $0x4000, s9  }
0x1d: {  	_ =	swait.ge [sflag:s5], $0x4000;
	s15 =	sshll.u32 s11, $0xE;
	s16 =	simm.s32 $0x0  }
0x1e: {  	s13 =	sor.u32 $0x40, s14;
	[sflag:s5] =	ssyncset.done $0x0;
	s15 =	sand.u32 $0x4000, s15  }
0x1f: {  	s14 =	sor.u32 $0x8040, s14;
	[sflag:s5] =	ssyncadd.s32 $0xFFFFC000;
	s15 =	sor.u32 $0x8000, s15  }
.LBB1_3:
0x20: {  	s17 =	smov.u32 s14;
	s18 =	smov.u32 s13;
	s19 =	simm.s32 $0x0  }
.LBB1_4:
0x21: {  	v0 =	vmov s17;
	v2 =	vld [tilespmem:s18+$0x30]  }
0x22: {  	v4 =	vld [tilespmem:s18+$0xFFFFFFD0]  }
0x23: {  	v6 =	vld [tilespmem:s18+$0xFFFFFFE0]  }
0x24: {  	v7 =	vld [tilespmem:s18+$0xFFFFFFF0]  }
0x25: {  	s20 =	simm.s32 $0x0;
	v1 =	vld [tilespmem:s18+$0x0]  }
0x26: {  	v3 =	vld [tilespmem:s18+$0x10];
	[tilespmem:v0+s20+$0x30 ss:$0x1] =	vst.idx.msk $0xffff, v2  }
0x27: {  	v5 =	vld [tilespmem:s18+$0x20];
	[tilespmem:v0+s20+$0xFFFFFFD0 ss:$0x1] =	vst.idx.msk $0xffff, v4  }
0x28: {  	s21 =	sadd.s32 $0x80, s18;
	v2 =	vld [tilespmem:s18+$0xFFFFFFC0];
	[tilespmem:v0+s20+$0xFFFFFFE0 ss:$0x1] =	vst.idx.msk $0xffff, v6  }
0x29: {  	s22 =	simm.s32 $0x800;
	s23 =	simm.s32 $0x1000;
	v4 =	vld [tilespmem:s21+$0x30];
	[tilespmem:v0+s20+$0xFFFFFFF0 ss:$0x1] =	vst.idx.msk $0xffff, v7  }
.LBB1_5:
0x2a: {  	p0 =	sne.s32 s23, $0x3800;
	v6 =	vld [tilespmem:s21+$0xFFFFFFD0];
	[tilespmem:v0+s20+$0x0 ss:$0x1] =	vst.idx.msk $0xffff, v1  }
0x2b: {  	v7 =	vld [tilespmem:s21+$0xFFFFFFE0];
	[tilespmem:v0+s20+$0x10 ss:$0x1] =	vst.idx.msk $0xffff, v3  }
0x2c: {  	v8 =	vld [tilespmem:s21+$0xFFFFFFF0];
	[tilespmem:v0+s20+$0x20 ss:$0x1] =	vst.idx.msk $0xffff, v5  }
.Ltmp3:
0x2d: {  	v1 =	vld [tilespmem:s21+$0x0];
	[tilespmem:v0+s20+$0xFFFFFFC0 ss:$0x1] =	vst.idx.msk $0xffff, v2;
	s20 =	sshra.s32 s22, $0x2;
	s22 =	smov.u32 s23;
	(pc) =	sbr.rel @p0 .LBB1_5-.Ltmp3, $4  }
0x2e: {  	v3 =	vld [tilespmem:s21+$0x10];
	[tilespmem:v0+s20+$0x30 ss:$0x1] =	vst.idx.msk $0xffff, v4  }
0x2f: {  	[tilespmem:v0+s20+$0xFFFFFFD0 ss:$0x1] =	vst.idx.msk $0xffff, v6;
	v5 =	vld [tilespmem:s21+$0x20]  }
0x30: {  	v2 =	vld [tilespmem:s21+$0xFFFFFFC0];
	[tilespmem:v0+s20+$0xFFFFFFE0 ss:$0x1] =	vst.idx.msk $0xffff, v7;
	s21 =	sadd.s32 $0x80, s21  }
0x31: {  	s23 =	sadd.s32 $0x800, s23;
	v4 =	vld [tilespmem:s21+$0x30];
	[tilespmem:v0+s20+$0xFFFFFFF0 ss:$0x1] =	vst.idx.msk $0xffff, v8  }
0x32: {  	_ =	sdelay $0x3  }
0x33: {  	v6 =	vld [tilespmem:s21+$0xFFFFFFD0];
	[tilespmem:v0+s20+$0x0 ss:$0x1] =	vst.idx.msk $0xffff, v1  }
0x34: {  	v58 =	vld [tilespmem:s21+$0xFFFFFFE0];
	[tilespmem:v0+s20+$0x10 ss:$0x1] =	vst.idx.msk $0xffff, v3  }
0x35: {  	v59 =	vld [tilespmem:s21+$0xFFFFFFF0];
	[tilespmem:v0+s20+$0x20 ss:$0x1] =	vst.idx.msk $0xffff, v5  }
0x36: {  	s22 =	sshra.s32 s22, $0x2;
	v60 =	vld [tilespmem:s21+$0x0];
	[tilespmem:v0+s20+$0xFFFFFFC0 ss:$0x1] =	vst.idx.msk $0xffff, v2  }
0x37: {  	v61 =	vld [tilespmem:s21+$0x10];
	[tilespmem:v0+s22+$0x30 ss:$0x1] =	vst.idx.msk $0xffff, v4  }
0x38: {  	v62 =	vld [tilespmem:s21+$0x20];
	s19 =	sadd.s32 $0x1, s19;
	[tilespmem:v0+s22+$0xFFFFFFD0 ss:$0x1] =	vst.idx.msk $0xffff, v6  }
0x39: {  	v63 =	vld [tilespmem:s21+$0xFFFFFFC0];
	p0 =	sne.s32 s19, $0x4;
	[tilespmem:v0+s22+$0xFFFFFFE0 ss:$0x1] =	vst.idx.msk $0xffff, v58  }
.Ltmp4:
0x3a: {  	[tilespmem:v0+s22+$0xFFFFFFF0 ss:$0x1] =	vst.idx.msk $0xffff, v59;
	(pc) =	sbr.rel @p0 .LBB1_4-.Ltmp4, $4  }
0x3b: {  	[tilespmem:v0+s22+$0x0 ss:$0x1] =	vst.idx.msk $0xffff, v60  }
0x3c: {  	[tilespmem:v0+s22+$0x10 ss:$0x1] =	vst.idx.msk $0xffff, v61  }
0x3d: {  	[tilespmem:v0+s22+$0x20 ss:$0x1] =	vst.idx.msk $0xffff, v62  }
0x3e: {  	s18 =	sadd.s32 $0x400, s18;
	s17 =	sadd.s32 $0x80, s17;
	[tilespmem:v0+s22+$0xFFFFFFC0 ss:$0x1] =	vst.idx.msk $0xffff, v63  }
0x3f: {  	s16 =	sadd.s32 $0x1, s16  }
0x40: {  	p0 =	sne.s32 s16, $0x4  }
.Ltmp5:
0x41: {  	_ = 	snop;
	(pc) =	sbr.rel @p0 .LBB1_3-.Ltmp5, $2  }
0x42: {  	_ =	sdelay $0x2  }
0x43: {  	s13 =	sadd.s32 $0x1000, s13;
	s14 =	sadd.s32 $0x1000, s14  }
.Ltmp6:
0x44: {  	(pc) =	sbr.rel .LBB1_9-.Ltmp6, $4  }
0x45: {  	_ = 	snop  }
0x46: {  	s12 =	sshll.u32 s12, $0x9  }
0x47: {  	s12 =	sadd.s32 s4, s12  }
0x48: {  	[hbm4b:s12+s8] =	stream.linear.scatter [tilespmem:s15], [sflag:$0x2], $0x4000, $0x38;
	[tilespmem:$0x10000] =	vst v63  }
.LBB1_10:
0x49: {  	_ =	sfence.sel $0x180000  }
0x4a: {  	s2 =	simm.s32 $0x1;
	[bflag:$0x0] =	sbarrier.arrive $0xFFFF  }
0x4b: {  	s31 =	simm.s32 $0x2;
	[sflag:s2] =	ssyncpa.u1 $0x1  }
0x4c: {  	[sflag:s31] =	ssyncpa.u1 $0x1  }
0x4d: {  	p0 =	sne.s32 s0, $0x0;
	_ =	strace $0x90000047  }
0x4e: {  	s0 =	sadd.s32 @!p0 $0x100000, s1;
	[bflag:$0x2] =	sbarrier.arrive $0xFFFF  }
0x4f: {  	[sflag:s0] =	ssyncadd.tile.s32 @!p0 $0x1;
	_ =	shalt  }
.Lfunc_end1:
_tile_overlayer_lowered:
.L_overlay_start_2:
0x50: {  	(tag) =	ssettag $0x2  }
0x51: {  	s0 =	rddreg [dreg:$0x0];
	s2 =	stileid.u32  }
0x52: {  	s1 =	rddreg [dreg:$0x1];
	p0 =	sne.s32 s2, $0x0  }
0x53: {  	s3 =	rddreg [dreg:$0x2];
	[bflag:$0x3] =	sbarrier.arrive $0xFFFF;
	s2 =	simm.s32 @!p0 $0x1C01  }
0x54: {  	[timem:s3], [sflag:s2] =	dma.local @!p0 [hbm:s0], s1  }
0x55: {  	s0 =	simm.s32 @!p0 $0x1  }
0x56: {  	_ =	swait.ge @!p0 [sflag:s0], s1  }
0x57: {  	s1 =	ssub.s32 @!p0 $0x0, s1;
	[sflag:s0] =	ssyncset.done @!p0 $0x0  }
0x58: {  	[sflag:s0] =	ssyncadd.s32 @!p0 s1  }
0x59: {  	[bflag:$0x3] =	sbarrier.arrive $0xFFFF  }
0x5a: {  	_ =	shalt  }

</sc_bundles>
